<compile_context>
chip_gen: v7x
topology: tpu7x:2x2x1
jax: 0.10.2.dev20260603
libtpu: 0.0.44.dev20260713+nightly
codegen_flags: <defaults>
</compile_context>

<pallas_src>
import functools

import jax
import jax.numpy as jnp
from jax import lax
from jax.experimental import pallas as pl
from jax.experimental.pallas import tpu as pltpu
from jax.experimental.pallas import tpu_sc as plsc

N_CLASS = 256
LANES = 16
NUM_CORES = 2
NUM_SUBCORES = 16
RCHUNK = 8


def _one_hot_sc(x3d, B, T):
    n_chunks = N_CLASS // RCHUNK
    n_groups = T // LANES
    cbits = RCHUNK.bit_length() - 1

    mesh = plsc.VectorSubcoreMesh(core_axis_name="c", subcore_axis_name="s")

    @functools.partial(
        pl.kernel,
        out_type=jax.ShapeDtypeStruct((B, N_CLASS, T), jnp.float32),
        mesh=mesh,
        compiler_params=pltpu.CompilerParams(needs_layout_passes=False),
        scratch_types=[
            pltpu.VMEM((T,), jnp.int32),
            pltpu.VMEM((RCHUNK, T), jnp.float32),
            pltpu.VMEM((RCHUNK, T), jnp.float32),
            pltpu.SemaphoreType.DMA,
            pltpu.SemaphoreType.DMA,
            pltpu.SemaphoreType.DMA,
        ],
    )
    def body(x_hbm, out_hbm, x_v, buf0, buf1, sem0, sem1, semx):
        b = lax.axis_index("s") * NUM_CORES + lax.axis_index("c")
        xcp = pltpu.make_async_copy(x_hbm.at[b, 0], x_v, semx)
        xcp.start()

        ones = jnp.full((LANES,), 1.0, jnp.float32)
        zeros = jnp.zeros((LANES,), jnp.float32)
        iota16 = lax.iota(jnp.int32, LANES)
        bufs = (buf0, buf1)
        sems = (sem0, sem1)

        def zero_cols(g, c):
            for r in range(RCHUNK):
                buf0[r, pl.ds(g * LANES, LANES)] = zeros
                buf1[r, pl.ds(g * LANES, LANES)] = zeros
            return c

        lax.fori_loop(0, n_groups, zero_cols, 0)
        xcp.wait()

        def scan(buf, i, i_unset):
            def group(g, c):
                xv = x_v[pl.ds(g * LANES, LANES)]
                row = xv & (RCHUNK - 1)
                col = iota16 + g * LANES
                grp = lax.shift_right_logical(xv, cbits)
                if i_unset is not None:
                    plsc.store_scatter(buf, [row, col], zeros, mask=grp == i_unset)
                plsc.store_scatter(buf, [row, col], ones, mask=grp == i)
                return c

            lax.fori_loop(0, n_groups, group, 0)

        def start_out(buf, i, sem):
            cp = pltpu.make_async_copy(
                buf, out_hbm.at[b, pl.ds(i * RCHUNK, RCHUNK), :], sem
            )
            cp.start()
            return cp

        scan(buf0, 0, None)
        start_out(buf0, 0, sem0)
        scan(buf1, 1, None)
        start_out(buf1, 1, sem1)

        def pair(p, c):
            for k in range(2):
                i = 2 * p + k
                buf, sem = bufs[k], sems[k]
                pltpu.make_async_copy(
                    buf, out_hbm.at[b, pl.ds((i - 2) * RCHUNK, RCHUNK), :], sem
                ).wait()
                scan(buf, i, i - 2)
                start_out(buf, i, sem)
            return c

        lax.fori_loop(1, n_chunks // 2, pair, 0)

        for k in range(2):
            i = n_chunks - 2 + k
            pltpu.make_async_copy(
                bufs[k], out_hbm.at[b, pl.ds(i * RCHUNK, RCHUNK), :], sems[k]
            ).wait()

    return body(x3d)


def kernel(x):
    B = x.shape[0]
    T = x.shape[-1]
    if x.dtype != jnp.int32:
        x = x.astype(jnp.int32)
    return _one_hot_sc(x, B, T)

# --- scband reference (transcript-rebuilt; emitter-appended) ---
"""Pipeline reference for scband-one-hot-34454227648791 (READ-ONLY COPY).

The authoritative reference and input builder live on the scoring server;
editing this copy changes nothing except your own understanding.
"""

import jax, jax.numpy as jnp
import numpy as np

N_CLASS = 256

def setup_inputs(seed: int = 0) -> dict:
    key = jax.random.key(seed)
    x = jax.random.randint(key, (32, 1, 4096), 0, N_CLASS, dtype=jnp.int64 if jax.config.jax_enable_x64 else jnp.int32)
    return {"x": x}

def reference(x) -> jnp.ndarray:
    # Faithful translation of OneHot.encode: zeros(B, n_class, T) scatter_(dim=1, index=x, src=1)
    B = x.shape[0]
    T = x.shape[-1]
    out = jnp.zeros((B, N_CLASS, T), dtype=jnp.float32)
    b_idx = jnp.arange(B)[:, None, None]
    t_idx = jnp.arange(T)[None, None, :]
    # x has shape (B, 1, T); scatter writes 1.0 at (b, x[b,0,t], t)
    out = out.at[b_idx, x, t_idx].set(1.0)
    return out

if __name__ == "__main__":
    import jax
    _d = setup_inputs()
    print(jax.jit(kernel)(*tuple(_d.values())))

</pallas_src>

<mosaic_0001>
#map = affine_map<(d0, d1) -> (0, 0, 0)>
module attributes {stable_mosaic.version = 14 : i64} {
  func.func @body(%arg0: i32, %arg1: i32, %arg2: memref<32x1x4096xi32, #tpu.memory_space<hbm>>, %arg3: memref<32x256x4096xf32, #tpu.memory_space<hbm>>, %arg4: memref<4096xi32, #tpu.memory_space<vmem>>, %arg5: memref<8x4096xf32, #tpu.memory_space<vmem>>, %arg6: memref<8x4096xf32, #tpu.memory_space<vmem>>, %arg7: memref<!tpu.dma_semaphore, #tpu.memory_space<semaphore_mem>>, %arg8: memref<!tpu.dma_semaphore, #tpu.memory_space<semaphore_mem>>, %arg9: memref<!tpu.dma_semaphore, #tpu.memory_space<semaphore_mem>>) attributes {dimension_semantics = [#tpu.dimension_semantics<core_parallel>, #tpu.dimension_semantics<subcore_parallel>], iteration_bounds = array<i64: 2, 16>, scalar_prefetch = 0 : i64, scratch_operands = 6 : i64, tpu.core_type = #tpu.core_type<sc_vector_subcore>, window_params = [{transform_indices = #map}, {transform_indices = #map}]} {
    %mul3A = arith.constant 2 : i32
    %mul3A_0 = arith.muli %arg1, %mul3A : i32
    %add3A = arith.addi %mul3A_0, %arg0 : i32
    %dma_start3A = arith.constant 0 : i32
    %dma_start3A_1 = arith.constant 0 : i32
    %dma_start3A_2 = tpu.memref_slice %arg2[%add3A, %dma_start3A, %dma_start3A_1] : memref<32x1x4096xi32, #tpu.memory_space<hbm>> -> memref<1x1x4096xi32, #tpu.memory_space<hbm>>
    %dma_start3A_3 = tpu.memref_squeeze %dma_start3A_2 : memref<1x1x4096xi32, #tpu.memory_space<hbm>> -> memref<4096xi32, #tpu.memory_space<hbm>>
    %dma_start3A_4 = arith.constant 0 : i32
    %dma_start3A_5 = tpu.memref_slice %arg2[%add3A, %dma_start3A, %dma_start3A_4] : memref<32x1x4096xi32, #tpu.memory_space<hbm>> -> memref<1x1x4096xi32, #tpu.memory_space<hbm>>
    %dma_start3A_6 = tpu.memref_squeeze %dma_start3A_5 : memref<1x1x4096xi32, #tpu.memory_space<hbm>> -> memref<4096xi32, #tpu.memory_space<hbm>>
    tpu.enqueue_dma source(%dma_start3A_6 : memref<4096xi32, #tpu.memory_space<hbm>>) target(%arg4 : memref<4096xi32, #tpu.memory_space<vmem>>) target_semaphore(%arg9 : memref<!tpu.dma_semaphore, #tpu.memory_space<semaphore_mem>>)
    %broadcast_in_dim3A = arith.constant 1.000000e+00 : f32
    %broadcast_in_dim3A_7 = vector.broadcast %broadcast_in_dim3A : f32 to vector<16xf32>
    %broadcast_in_dim3A_8 = arith.constant 0.000000e+00 : f32
    %broadcast_in_dim3A_9 = vector.broadcast %broadcast_in_dim3A_8 : f32 to vector<16xf32>
    %iota3A = tpu.iota {dimensions = array<i32: 0>} : vector<16xi32>
    %scan3A = arith.constant 0 : i32
    %scan3A_10 = arith.constant 0 : i32
    %scan3A_11 = arith.constant 256 : i32
    %scan3A_12 = arith.addi %scan3A_10, %scan3A_11 : i32
    %scan3A_13 = arith.constant 1 : i32
    scf.for %scan3A_71 = %scan3A_10 to %scan3A_12 step %scan3A_13  : i32 {
      %mul3A_72 = arith.constant 16 : i32
      %mul3A_73 = arith.muli %scan3A_71, %mul3A_72 : i32
      %swap3A = arith.constant 0 : i32
      %swap3A_74 = arith.index_cast %swap3A : i32 to index
      %swap3A_75 = arith.index_cast %mul3A_73 : i32 to index
      %swap3A_76 = tpu.vector_load %arg5[%swap3A_74, %swap3A_75] {strides = array<i32>} : memref<8x4096xf32, #tpu.memory_space<vmem>>, vector<16xf32>,
      tpu.vector_store %arg5[%swap3A_74, %swap3A_75], %broadcast_in_dim3A_9 {strides = array<i32>} : memref<8x4096xf32, #tpu.memory_space<vmem>>, vector<16xf32>,
      %mul3A_77 = arith.constant 16 : i32
      %mul3A_78 = arith.muli %scan3A_71, %mul3A_77 : i32
      %swap3A_79 = arith.constant 0 : i32
      %swap3A_80 = arith.index_cast %swap3A_79 : i32 to index
      %swap3A_81 = arith.index_cast %mul3A_78 : i32 to index
      %swap3A_82 = tpu.vector_load %arg6[%swap3A_80, %swap3A_81] {strides = array<i32>} : memref<8x4096xf32, #tpu.memory_space<vmem>>, vector<16xf32>,
      tpu.vector_store %arg6[%swap3A_80, %swap3A_81], %broadcast_in_dim3A_9 {strides = array<i32>} : memref<8x4096xf32, #tpu.memory_space<vmem>>, vector<16xf32>,
      %mul3A_83 = arith.constant 16 : i32
      %mul3A_84 = arith.muli %scan3A_71, %mul3A_83 : i32
      %swap3A_85 = arith.constant 1 : i32
      %swap3A_86 = arith.index_cast %swap3A_85 : i32 to index
      %swap3A_87 = arith.index_cast %mul3A_84 : i32 to index
      %swap3A_88 = tpu.vector_load %arg5[%swap3A_86, %swap3A_87] {strides = array<i32>} : memref<8x4096xf32, #tpu.memory_space<vmem>>, vector<16xf32>,
      tpu.vector_store %arg5[%swap3A_86, %swap3A_87], %broadcast_in_dim3A_9 {strides = array<i32>} : memref<8x4096xf32, #tpu.memory_space<vmem>>, vector<16xf32>,
      %mul3A_89 = arith.constant 16 : i32
      %mul3A_90 = arith.muli %scan3A_71, %mul3A_89 : i32
      %swap3A_91 = arith.constant 1 : i32
      %swap3A_92 = arith.index_cast %swap3A_91 : i32 to index
      %swap3A_93 = arith.index_cast %mul3A_90 : i32 to index
      %swap3A_94 = tpu.vector_load %arg6[%swap3A_92, %swap3A_93] {strides = array<i32>} : memref<8x4096xf32, #tpu.memory_space<vmem>>, vector<16xf32>,
      tpu.vector_store %arg6[%swap3A_92, %swap3A_93], %broadcast_in_dim3A_9 {strides = array<i32>} : memref<8x4096xf32, #tpu.memory_space<vmem>>, vector<16xf32>,
      %mul3A_95 = arith.constant 16 : i32
      %mul3A_96 = arith.muli %scan3A_71, %mul3A_95 : i32
      %swap3A_97 = arith.constant 2 : i32
      %swap3A_98 = arith.index_cast %swap3A_97 : i32 to index
      %swap3A_99 = arith.index_cast %mul3A_96 : i32 to index
      %swap3A_100 = tpu.vector_load %arg5[%swap3A_98, %swap3A_99] {strides = array<i32>} : memref<8x4096xf32, #tpu.memory_space<vmem>>, vector<16xf32>,
      tpu.vector_store %arg5[%swap3A_98, %swap3A_99], %broadcast_in_dim3A_9 {strides = array<i32>} : memref<8x4096xf32, #tpu.memory_space<vmem>>, vector<16xf32>,
      %mul3A_101 = arith.constant 16 : i32
      %mul3A_102 = arith.muli %scan3A_71, %mul3A_101 : i32
      %swap3A_103 = arith.constant 2 : i32
      %swap3A_104 = arith.index_cast %swap3A_103 : i32 to index
      %swap3A_105 = arith.index_cast %mul3A_102 : i32 to index
      %swap3A_106 = tpu.vector_load %arg6[%swap3A_104, %swap3A_105] {strides = array<i32>} : memref<8x4096xf32, #tpu.memory_space<vmem>>, vector<16xf32>,
      tpu.vector_store %arg6[%swap3A_104, %swap3A_105], %broadcast_in_dim3A_9 {strides = array<i32>} : memref<8x4096xf32, #tpu.memory_space<vmem>>, vector<16xf32>,
      %mul3A_107 = arith.constant 16 : i32
      %mul3A_108 = arith.muli %scan3A_71, %mul3A_107 : i32
      %swap3A_109 = arith.constant 3 : i32
      %swap3A_110 = arith.index_cast %swap3A_109 : i32 to index
      %swap3A_111 = arith.index_cast %mul3A_108 : i32 to index
      %swap3A_112 = tpu.vector_load %arg5[%swap3A_110, %swap3A_111] {strides = array<i32>} : memref<8x4096xf32, #tpu.memory_space<vmem>>, vector<16xf32>,
      tpu.vector_store %arg5[%swap3A_110, %swap3A_111], %broadcast_in_dim3A_9 {strides = array<i32>} : memref<8x4096xf32, #tpu.memory_space<vmem>>, vector<16xf32>,
      %mul3A_113 = arith.constant 16 : i32
      %mul3A_114 = arith.muli %scan3A_71, %mul3A_113 : i32
      %swap3A_115 = arith.constant 3 : i32
      %swap3A_116 = arith.index_cast %swap3A_115 : i32 to index
      %swap3A_117 = arith.index_cast %mul3A_114 : i32 to index
      %swap3A_118 = tpu.vector_load %arg6[%swap3A_116, %swap3A_117] {strides = array<i32>} : memref<8x4096xf32, #tpu.memory_space<vmem>>, vector<16xf32>,
      tpu.vector_store %arg6[%swap3A_116, %swap3A_117], %broadcast_in_dim3A_9 {strides = array<i32>} : memref<8x4096xf32, #tpu.memory_space<vmem>>, vector<16xf32>,
      %mul3A_119 = arith.constant 16 : i32
      %mul3A_120 = arith.muli %scan3A_71, %mul3A_119 : i32
      %swap3A_121 = arith.constant 4 : i32
      %swap3A_122 = arith.index_cast %swap3A_121 : i32 to index
      %swap3A_123 = arith.index_cast %mul3A_120 : i32 to index
      %swap3A_124 = tpu.vector_load %arg5[%swap3A_122, %swap3A_123] {strides = array<i32>} : memref<8x4096xf32, #tpu.memory_space<vmem>>, vector<16xf32>,
      tpu.vector_store %arg5[%swap3A_122, %swap3A_123], %broadcast_in_dim3A_9 {strides = array<i32>} : memref<8x4096xf32, #tpu.memory_space<vmem>>, vector<16xf32>,
      %mul3A_125 = arith.constant 16 : i32
      %mul3A_126 = arith.muli %scan3A_71, %mul3A_125 : i32
      %swap3A_127 = arith.constant 4 : i32
      %swap3A_128 = arith.index_cast %swap3A_127 : i32 to index
      %swap3A_129 = arith.index_cast %mul3A_126 : i32 to index
      %swap3A_130 = tpu.vector_load %arg6[%swap3A_128, %swap3A_129] {strides = array<i32>} : memref<8x4096xf32, #tpu.memory_space<vmem>>, vector<16xf32>,
      tpu.vector_store %arg6[%swap3A_128, %swap3A_129], %broadcast_in_dim3A_9 {strides = array<i32>} : memref<8x4096xf32, #tpu.memory_space<vmem>>, vector<16xf32>,
      %mul3A_131 = arith.constant 16 : i32
      %mul3A_132 = arith.muli %scan3A_71, %mul3A_131 : i32
      %swap3A_133 = arith.constant 5 : i32
      %swap3A_134 = arith.index_cast %swap3A_133 : i32 to index
      %swap3A_135 = arith.index_cast %mul3A_132 : i32 to index
      %swap3A_136 = tpu.vector_load %arg5[%swap3A_134, %swap3A_135] {strides = array<i32>} : memref<8x4096xf32, #tpu.memory_space<vmem>>, vector<16xf32>,
      tpu.vector_store %arg5[%swap3A_134, %swap3A_135], %broadcast_in_dim3A_9 {strides = array<i32>} : memref<8x4096xf32, #tpu.memory_space<vmem>>, vector<16xf32>,
      %mul3A_137 = arith.constant 16 : i32
      %mul3A_138 = arith.muli %scan3A_71, %mul3A_137 : i32
      %swap3A_139 = arith.constant 5 : i32
      %swap3A_140 = arith.index_cast %swap3A_139 : i32 to index
      %swap3A_141 = arith.index_cast %mul3A_138 : i32 to index
      %swap3A_142 = tpu.vector_load %arg6[%swap3A_140, %swap3A_141] {strides = array<i32>} : memref<8x4096xf32, #tpu.memory_space<vmem>>, vector<16xf32>,
      tpu.vector_store %arg6[%swap3A_140, %swap3A_141], %broadcast_in_dim3A_9 {strides = array<i32>} : memref<8x4096xf32, #tpu.memory_space<vmem>>, vector<16xf32>,
      %mul3A_143 = arith.constant 16 : i32
      %mul3A_144 = arith.muli %scan3A_71, %mul3A_143 : i32
      %swap3A_145 = arith.constant 6 : i32
      %swap3A_146 = arith.index_cast %swap3A_145 : i32 to index
      %swap3A_147 = arith.index_cast %mul3A_144 : i32 to index
      %swap3A_148 = tpu.vector_load %arg5[%swap3A_146, %swap3A_147] {strides = array<i32>} : memref<8x4096xf32, #tpu.memory_space<vmem>>, vector<16xf32>,
      tpu.vector_store %arg5[%swap3A_146, %swap3A_147], %broadcast_in_dim3A_9 {strides = array<i32>} : memref<8x4096xf32, #tpu.memory_space<vmem>>, vector<16xf32>,
      %mul3A_149 = arith.constant 16 : i32
      %mul3A_150 = arith.muli %scan3A_71, %mul3A_149 : i32
      %swap3A_151 = arith.constant 6 : i32
      %swap3A_152 = arith.index_cast %swap3A_151 : i32 to index
      %swap3A_153 = arith.index_cast %mul3A_150 : i32 to index
      %swap3A_154 = tpu.vector_load %arg6[%swap3A_152, %swap3A_153] {strides = array<i32>} : memref<8x4096xf32, #tpu.memory_space<vmem>>, vector<16xf32>,
      tpu.vector_store %arg6[%swap3A_152, %swap3A_153], %broadcast_in_dim3A_9 {strides = array<i32>} : memref<8x4096xf32, #tpu.memory_space<vmem>>, vector<16xf32>,
      %mul3A_155 = arith.constant 16 : i32
      %mul3A_156 = arith.muli %scan3A_71, %mul3A_155 : i32
      %swap3A_157 = arith.constant 7 : i32
      %swap3A_158 = arith.index_cast %swap3A_157 : i32 to index
      %swap3A_159 = arith.index_cast %mul3A_156 : i32 to index
      %swap3A_160 = tpu.vector_load %arg5[%swap3A_158, %swap3A_159] {strides = array<i32>} : memref<8x4096xf32, #tpu.memory_space<vmem>>, vector<16xf32>,
      tpu.vector_store %arg5[%swap3A_158, %swap3A_159], %broadcast_in_dim3A_9 {strides = array<i32>} : memref<8x4096xf32, #tpu.memory_space<vmem>>, vector<16xf32>,
      %mul3A_161 = arith.constant 16 : i32
      %mul3A_162 = arith.muli %scan3A_71, %mul3A_161 : i32
      %swap3A_163 = arith.constant 7 : i32
      %swap3A_164 = arith.index_cast %swap3A_163 : i32 to index
      %swap3A_165 = arith.index_cast %mul3A_162 : i32 to index
      %swap3A_166 = tpu.vector_load %arg6[%swap3A_164, %swap3A_165] {strides = array<i32>} : memref<8x4096xf32, #tpu.memory_space<vmem>>, vector<16xf32>,
      tpu.vector_store %arg6[%swap3A_164, %swap3A_165], %broadcast_in_dim3A_9 {strides = array<i32>} : memref<8x4096xf32, #tpu.memory_space<vmem>>, vector<16xf32>,
    }
    %scan3A_14 = arith.constant 256 : i32
    %dma_wait3A = arith.constant 0 : i32
    %dma_wait3A_15 = arith.constant 0 : i32
    %dma_wait3A_16 = tpu.memref_slice %arg2[%add3A, %dma_wait3A, %dma_wait3A_15] : memref<32x1x4096xi32, #tpu.memory_space<hbm>> -> memref<1x1x4096xi32, #tpu.memory_space<hbm>>
    %dma_wait3A_17 = tpu.memref_squeeze %dma_wait3A_16 : memref<1x1x4096xi32, #tpu.memory_space<hbm>> -> memref<4096xi32, #tpu.memory_space<hbm>>
    %dma_wait3A_18 = arith.constant 0 : i32
    %dma_wait3A_19 = tpu.memref_slice %arg2[%add3A, %dma_wait3A, %dma_wait3A_18] : memref<32x1x4096xi32, #tpu.memory_space<hbm>> -> memref<1x1x4096xi32, #tpu.memory_space<hbm>>
    %dma_wait3A_20 = tpu.memref_squeeze %dma_wait3A_19 : memref<1x1x4096xi32, #tpu.memory_space<hbm>> -> memref<4096xi32, #tpu.memory_space<hbm>>
    tpu.wait_dma2 semaphore(%arg9 : memref<!tpu.dma_semaphore, #tpu.memory_space<semaphore_mem>>) src(%dma_wait3A_20 : memref<4096xi32, #tpu.memory_space<hbm>>) dst(%arg4 : memref<4096xi32, #tpu.memory_space<vmem>>)
    %scan3A_21 = arith.constant 0 : i32
    %scan3A_22 = arith.constant 0 : i32
    %scan3A_23 = arith.constant 256 : i32
    %scan3A_24 = arith.addi %scan3A_22, %scan3A_23 : i32
    %scan3A_25 = arith.constant 1 : i32
    scf.for %scan3A_71 = %scan3A_22 to %scan3A_24 step %scan3A_25  : i32 {
      %mul3A_72 = arith.constant 16 : i32
      %mul3A_73 = arith.muli %scan3A_71, %mul3A_72 : i32
      %get3A = arith.index_cast %mul3A_73 : i32 to index
      %get3A_74 = tpu.vector_load %arg4[%get3A] {strides = array<i32>} : memref<4096xi32, #tpu.memory_space<vmem>>, vector<16xi32>,
      %and3A = arith.constant 7 : i32
      %and3A_75 = vector.broadcast %and3A : i32 to vector<16xi32>
      %and3A_76 = arith.andi %get3A_74, %and3A_75 : vector<16xi32>
      %mul3A_77 = arith.constant 16 : i32
      %mul3A_78 = arith.muli %scan3A_71, %mul3A_77 : i32
      %add3A_79 = vector.broadcast %mul3A_78 : i32 to vector<16xi32>
      %add3A_80 = arith.addi %iota3A, %add3A_79 : vector<16xi32>
      %shift_right_logical3A = arith.constant 3 : i32
      %shift_right_logical3A_81 = vector.broadcast %shift_right_logical3A : i32 to vector<16xi32>
      %shift_right_logical3A_82 = arith.shrui %get3A_74, %shift_right_logical3A_81 : vector<16xi32>
      %eq3A = arith.constant 0 : i32
      %eq3A_83 = vector.broadcast %eq3A : i32 to vector<16xi32>
      %eq3A_84 = arith.cmpi eq, %shift_right_logical3A_82, %eq3A_83 : vector<16xi32>
      tpu.vector_store_idx %arg5[%and3A_76, %add3A_80], %broadcast_in_dim3A_7 masked %eq3A_84 : memref<8x4096xf32, #tpu.memory_space<vmem>>[vector<16xi32>, vector<16xi32>], vector<16xf32>, vector<16xi1>
    }
    %scan3A_26 = arith.constant 256 : i32
    %dma_start3A_27 = arith.constant 0 : i32
    %dma_start3A_28 = arith.constant 0 : i32
    %dma_start3A_29 = tpu.memref_slice %arg3[%add3A, %dma_start3A_27, %dma_start3A_28] : memref<32x256x4096xf32, #tpu.memory_space<hbm>> -> memref<1x8x4096xf32, #tpu.memory_space<hbm>>
    %dma_start3A_30 = tpu.memref_squeeze %dma_start3A_29 : memref<1x8x4096xf32, #tpu.memory_space<hbm>> -> memref<8x4096xf32, #tpu.memory_space<hbm>>
    %dma_start3A_31 = arith.constant 0 : i32
    %dma_start3A_32 = arith.constant 0 : i32
    %dma_start3A_33 = tpu.memref_slice %arg3[%add3A, %dma_start3A_31, %dma_start3A_32] : memref<32x256x4096xf32, #tpu.memory_space<hbm>> -> memref<1x8x4096xf32, #tpu.memory_space<hbm>>
    %dma_start3A_34 = tpu.memref_squeeze %dma_start3A_33 : memref<1x8x4096xf32, #tpu.memory_space<hbm>> -> memref<8x4096xf32, #tpu.memory_space<hbm>>
    tpu.enqueue_dma source(%arg5 : memref<8x4096xf32, #tpu.memory_space<vmem>>) target(%dma_start3A_34 : memref<8x4096xf32, #tpu.memory_space<hbm>>) target_semaphore(%arg7 : memref<!tpu.dma_semaphore, #tpu.memory_space<semaphore_mem>>)
    %scan3A_35 = arith.constant 0 : i32
    %scan3A_36 = arith.constant 0 : i32
    %scan3A_37 = arith.constant 256 : i32
    %scan3A_38 = arith.addi %scan3A_36, %scan3A_37 : i32
    %scan3A_39 = arith.constant 1 : i32
    scf.for %scan3A_71 = %scan3A_36 to %scan3A_38 step %scan3A_39  : i32 {
      %mul3A_72 = arith.constant 16 : i32
      %mul3A_73 = arith.muli %scan3A_71, %mul3A_72 : i32
      %get3A = arith.index_cast %mul3A_73 : i32 to index
      %get3A_74 = tpu.vector_load %arg4[%get3A] {strides = array<i32>} : memref<4096xi32, #tpu.memory_space<vmem>>, vector<16xi32>,
      %and3A = arith.constant 7 : i32
      %and3A_75 = vector.broadcast %and3A : i32 to vector<16xi32>
      %and3A_76 = arith.andi %get3A_74, %and3A_75 : vector<16xi32>
      %mul3A_77 = arith.constant 16 : i32
      %mul3A_78 = arith.muli %scan3A_71, %mul3A_77 : i32
      %add3A_79 = vector.broadcast %mul3A_78 : i32 to vector<16xi32>
      %add3A_80 = arith.addi %iota3A, %add3A_79 : vector<16xi32>
      %shift_right_logical3A = arith.constant 3 : i32
      %shift_right_logical3A_81 = vector.broadcast %shift_right_logical3A : i32 to vector<16xi32>
      %shift_right_logical3A_82 = arith.shrui %get3A_74, %shift_right_logical3A_81 : vector<16xi32>
      %eq3A = arith.constant 1 : i32
      %eq3A_83 = vector.broadcast %eq3A : i32 to vector<16xi32>
      %eq3A_84 = arith.cmpi eq, %shift_right_logical3A_82, %eq3A_83 : vector<16xi32>
      tpu.vector_store_idx %arg6[%and3A_76, %add3A_80], %broadcast_in_dim3A_7 masked %eq3A_84 : memref<8x4096xf32, #tpu.memory_space<vmem>>[vector<16xi32>, vector<16xi32>], vector<16xf32>, vector<16xi1>
    }
    %scan3A_40 = arith.constant 256 : i32
    %dma_start3A_41 = arith.constant 8 : i32
    %dma_start3A_42 = arith.constant 0 : i32
    %dma_start3A_43 = tpu.memref_slice %arg3[%add3A, %dma_start3A_41, %dma_start3A_42] : memref<32x256x4096xf32, #tpu.memory_space<hbm>> -> memref<1x8x4096xf32, #tpu.memory_space<hbm>>
    %dma_start3A_44 = tpu.memref_squeeze %dma_start3A_43 : memref<1x8x4096xf32, #tpu.memory_space<hbm>> -> memref<8x4096xf32, #tpu.memory_space<hbm>>
    %dma_start3A_45 = arith.constant 8 : i32
    %dma_start3A_46 = arith.constant 0 : i32
    %dma_start3A_47 = tpu.memref_slice %arg3[%add3A, %dma_start3A_45, %dma_start3A_46] : memref<32x256x4096xf32, #tpu.memory_space<hbm>> -> memref<1x8x4096xf32, #tpu.memory_space<hbm>>
    %dma_start3A_48 = tpu.memref_squeeze %dma_start3A_47 : memref<1x8x4096xf32, #tpu.memory_space<hbm>> -> memref<8x4096xf32, #tpu.memory_space<hbm>>
    tpu.enqueue_dma source(%arg6 : memref<8x4096xf32, #tpu.memory_space<vmem>>) target(%dma_start3A_48 : memref<8x4096xf32, #tpu.memory_space<hbm>>) target_semaphore(%arg8 : memref<!tpu.dma_semaphore, #tpu.memory_space<semaphore_mem>>)
    %scan3A_49 = arith.constant 0 : i32
    %scan3A_50 = arith.constant 1 : i32
    %scan3A_51 = arith.constant 15 : i32
    %scan3A_52 = arith.addi %scan3A_50, %scan3A_51 : i32
    %scan3A_53 = arith.constant 1 : i32
    scf.for %scan3A_71 = %scan3A_50 to %scan3A_52 step %scan3A_53  : i32 {
      %mul3A_72 = arith.constant 2 : i32
      %mul3A_73 = arith.muli %mul3A_72, %scan3A_71 : i32
      %add3A_74 = arith.constant 0 : i32
      %add3A_75 = arith.addi %mul3A_73, %add3A_74 : i32
      %sub3A = arith.constant 2 : i32
      %sub3A_76 = arith.subi %add3A_75, %sub3A : i32
      %mul3A_77 = arith.constant 8 : i32
      %mul3A_78 = arith.muli %sub3A_76, %mul3A_77 : i32
      %dma_wait3A_79 = arith.constant 0 : i32
      %dma_wait3A_80 = tpu.memref_slice %arg3[%add3A, %mul3A_78, %dma_wait3A_79] : memref<32x256x4096xf32, #tpu.memory_space<hbm>> -> memref<1x8x4096xf32, #tpu.memory_space<hbm>>
      %dma_wait3A_81 = tpu.memref_squeeze %dma_wait3A_80 : memref<1x8x4096xf32, #tpu.memory_space<hbm>> -> memref<8x4096xf32, #tpu.memory_space<hbm>>
      %dma_wait3A_82 = arith.constant 0 : i32
      %dma_wait3A_83 = tpu.memref_slice %arg3[%add3A, %mul3A_78, %dma_wait3A_82] : memref<32x256x4096xf32, #tpu.memory_space<hbm>> -> memref<1x8x4096xf32, #tpu.memory_space<hbm>>
      %dma_wait3A_84 = tpu.memref_squeeze %dma_wait3A_83 : memref<1x8x4096xf32, #tpu.memory_space<hbm>> -> memref<8x4096xf32, #tpu.memory_space<hbm>>
      tpu.wait_dma2 semaphore(%arg7 : memref<!tpu.dma_semaphore, #tpu.memory_space<semaphore_mem>>) src(%arg5 : memref<8x4096xf32, #tpu.memory_space<vmem>>) dst(%dma_wait3A_84 : memref<8x4096xf32, #tpu.memory_space<hbm>>)
      %sub3A_85 = arith.constant 2 : i32
      %sub3A_86 = arith.subi %add3A_75, %sub3A_85 : i32
      %scan3A_87 = arith.constant 0 : i32
      %scan3A_88 = arith.constant 0 : i32
      %scan3A_89 = arith.constant 256 : i32
      %scan3A_90 = arith.addi %scan3A_88, %scan3A_89 : i32
      %scan3A_91 = arith.constant 1 : i32
      scf.for %scan3A_131 = %scan3A_88 to %scan3A_90 step %scan3A_91  : i32 {
        %mul3A_132 = arith.constant 16 : i32
        %mul3A_133 = arith.muli %scan3A_131, %mul3A_132 : i32
        %get3A = arith.index_cast %mul3A_133 : i32 to index
        %get3A_134 = tpu.vector_load %arg4[%get3A] {strides = array<i32>} : memref<4096xi32, #tpu.memory_space<vmem>>, vector<16xi32>,
        %and3A = arith.constant 7 : i32
        %and3A_135 = vector.broadcast %and3A : i32 to vector<16xi32>
        %and3A_136 = arith.andi %get3A_134, %and3A_135 : vector<16xi32>
        %mul3A_137 = arith.constant 16 : i32
        %mul3A_138 = arith.muli %scan3A_131, %mul3A_137 : i32
        %add3A_139 = vector.broadcast %mul3A_138 : i32 to vector<16xi32>
        %add3A_140 = arith.addi %iota3A, %add3A_139 : vector<16xi32>
        %shift_right_logical3A = arith.constant 3 : i32
        %shift_right_logical3A_141 = vector.broadcast %shift_right_logical3A : i32 to vector<16xi32>
        %shift_right_logical3A_142 = arith.shrui %get3A_134, %shift_right_logical3A_141 : vector<16xi32>
        %eq3A = vector.broadcast %sub3A_86 : i32 to vector<16xi32>
        %eq3A_143 = arith.cmpi eq, %shift_right_logical3A_142, %eq3A : vector<16xi32>
        tpu.vector_store_idx %arg5[%and3A_136, %add3A_140], %broadcast_in_dim3A_9 masked %eq3A_143 : memref<8x4096xf32, #tpu.memory_space<vmem>>[vector<16xi32>, vector<16xi32>], vector<16xf32>, vector<16xi1>
        %eq3A_144 = vector.broadcast %add3A_75 : i32 to vector<16xi32>
        %eq3A_145 = arith.cmpi eq, %shift_right_logical3A_142, %eq3A_144 : vector<16xi32>
        tpu.vector_store_idx %arg5[%and3A_136, %add3A_140], %broadcast_in_dim3A_7 masked %eq3A_145 : memref<8x4096xf32, #tpu.memory_space<vmem>>[vector<16xi32>, vector<16xi32>], vector<16xf32>, vector<16xi1>
      }
      %scan3A_92 = arith.constant 256 : i32
      %mul3A_93 = arith.constant 8 : i32
      %mul3A_94 = arith.muli %add3A_75, %mul3A_93 : i32
      %dma_start3A_95 = arith.constant 0 : i32
      %dma_start3A_96 = tpu.memref_slice %arg3[%add3A, %mul3A_94, %dma_start3A_95] : memref<32x256x4096xf32, #tpu.memory_space<hbm>> -> memref<1x8x4096xf32, #tpu.memory_space<hbm>>
      %dma_start3A_97 = tpu.memref_squeeze %dma_start3A_96 : memref<1x8x4096xf32, #tpu.memory_space<hbm>> -> memref<8x4096xf32, #tpu.memory_space<hbm>>
      %dma_start3A_98 = arith.constant 0 : i32
      %dma_start3A_99 = tpu.memref_slice %arg3[%add3A, %mul3A_94, %dma_start3A_98] : memref<32x256x4096xf32, #tpu.memory_space<hbm>> -> memref<1x8x4096xf32, #tpu.memory_space<hbm>>
      %dma_start3A_100 = tpu.memref_squeeze %dma_start3A_99 : memref<1x8x4096xf32, #tpu.memory_space<hbm>> -> memref<8x4096xf32, #tpu.memory_space<hbm>>
      tpu.enqueue_dma source(%arg5 : memref<8x4096xf32, #tpu.memory_space<vmem>>) target(%dma_start3A_100 : memref<8x4096xf32, #tpu.memory_space<hbm>>) target_semaphore(%arg7 : memref<!tpu.dma_semaphore, #tpu.memory_space<semaphore_mem>>)
      %mul3A_101 = arith.constant 2 : i32
      %mul3A_102 = arith.muli %mul3A_101, %scan3A_71 : i32
      %add3A_103 = arith.constant 1 : i32
      %add3A_104 = arith.addi %mul3A_102, %add3A_103 : i32
      %sub3A_105 = arith.constant 2 : i32
      %sub3A_106 = arith.subi %add3A_104, %sub3A_105 : i32
      %mul3A_107 = arith.constant 8 : i32
      %mul3A_108 = arith.muli %sub3A_106, %mul3A_107 : i32
      %dma_wait3A_109 = arith.constant 0 : i32
      %dma_wait3A_110 = tpu.memref_slice %arg3[%add3A, %mul3A_108, %dma_wait3A_109] : memref<32x256x4096xf32, #tpu.memory_space<hbm>> -> memref<1x8x4096xf32, #tpu.memory_space<hbm>>
      %dma_wait3A_111 = tpu.memref_squeeze %dma_wait3A_110 : memref<1x8x4096xf32, #tpu.memory_space<hbm>> -> memref<8x4096xf32, #tpu.memory_space<hbm>>
      %dma_wait3A_112 = arith.constant 0 : i32
      %dma_wait3A_113 = tpu.memref_slice %arg3[%add3A, %mul3A_108, %dma_wait3A_112] : memref<32x256x4096xf32, #tpu.memory_space<hbm>> -> memref<1x8x4096xf32, #tpu.memory_space<hbm>>
      %dma_wait3A_114 = tpu.memref_squeeze %dma_wait3A_113 : memref<1x8x4096xf32, #tpu.memory_space<hbm>> -> memref<8x4096xf32, #tpu.memory_space<hbm>>
      tpu.wait_dma2 semaphore(%arg8 : memref<!tpu.dma_semaphore, #tpu.memory_space<semaphore_mem>>) src(%arg6 : memref<8x4096xf32, #tpu.memory_space<vmem>>) dst(%dma_wait3A_114 : memref<8x4096xf32, #tpu.memory_space<hbm>>)
      %sub3A_115 = arith.constant 2 : i32
      %sub3A_116 = arith.subi %add3A_104, %sub3A_115 : i32
      %scan3A_117 = arith.constant 0 : i32
      %scan3A_118 = arith.constant 0 : i32
      %scan3A_119 = arith.constant 256 : i32
      %scan3A_120 = arith.addi %scan3A_118, %scan3A_119 : i32
      %scan3A_121 = arith.constant 1 : i32
      scf.for %scan3A_131 = %scan3A_118 to %scan3A_120 step %scan3A_121  : i32 {
        %mul3A_132 = arith.constant 16 : i32
        %mul3A_133 = arith.muli %scan3A_131, %mul3A_132 : i32
        %get3A = arith.index_cast %mul3A_133 : i32 to index
        %get3A_134 = tpu.vector_load %arg4[%get3A] {strides = array<i32>} : memref<4096xi32, #tpu.memory_space<vmem>>, vector<16xi32>,
        %and3A = arith.constant 7 : i32
        %and3A_135 = vector.broadcast %and3A : i32 to vector<16xi32>
        %and3A_136 = arith.andi %get3A_134, %and3A_135 : vector<16xi32>
        %mul3A_137 = arith.constant 16 : i32
        %mul3A_138 = arith.muli %scan3A_131, %mul3A_137 : i32
        %add3A_139 = vector.broadcast %mul3A_138 : i32 to vector<16xi32>
        %add3A_140 = arith.addi %iota3A, %add3A_139 : vector<16xi32>
        %shift_right_logical3A = arith.constant 3 : i32
        %shift_right_logical3A_141 = vector.broadcast %shift_right_logical3A : i32 to vector<16xi32>
        %shift_right_logical3A_142 = arith.shrui %get3A_134, %shift_right_logical3A_141 : vector<16xi32>
        %eq3A = vector.broadcast %sub3A_116 : i32 to vector<16xi32>
        %eq3A_143 = arith.cmpi eq, %shift_right_logical3A_142, %eq3A : vector<16xi32>
        tpu.vector_store_idx %arg6[%and3A_136, %add3A_140], %broadcast_in_dim3A_9 masked %eq3A_143 : memref<8x4096xf32, #tpu.memory_space<vmem>>[vector<16xi32>, vector<16xi32>], vector<16xf32>, vector<16xi1>
        %eq3A_144 = vector.broadcast %add3A_104 : i32 to vector<16xi32>
        %eq3A_145 = arith.cmpi eq, %shift_right_logical3A_142, %eq3A_144 : vector<16xi32>
        tpu.vector_store_idx %arg6[%and3A_136, %add3A_140], %broadcast_in_dim3A_7 masked %eq3A_145 : memref<8x4096xf32, #tpu.memory_space<vmem>>[vector<16xi32>, vector<16xi32>], vector<16xf32>, vector<16xi1>
      }
      %scan3A_122 = arith.constant 256 : i32
      %mul3A_123 = arith.constant 8 : i32
      %mul3A_124 = arith.muli %add3A_104, %mul3A_123 : i32
      %dma_start3A_125 = arith.constant 0 : i32
      %dma_start3A_126 = tpu.memref_slice %arg3[%add3A, %mul3A_124, %dma_start3A_125] : memref<32x256x4096xf32, #tpu.memory_space<hbm>> -> memref<1x8x4096xf32, #tpu.memory_space<hbm>>
      %dma_start3A_127 = tpu.memref_squeeze %dma_start3A_126 : memref<1x8x4096xf32, #tpu.memory_space<hbm>> -> memref<8x4096xf32, #tpu.memory_space<hbm>>
      %dma_start3A_128 = arith.constant 0 : i32
      %dma_start3A_129 = tpu.memref_slice %arg3[%add3A, %mul3A_124, %dma_start3A_128] : memref<32x256x4096xf32, #tpu.memory_space<hbm>> -> memref<1x8x4096xf32, #tpu.memory_space<hbm>>
      %dma_start3A_130 = tpu.memref_squeeze %dma_start3A_129 : memref<1x8x4096xf32, #tpu.memory_space<hbm>> -> memref<8x4096xf32, #tpu.memory_space<hbm>>
      tpu.enqueue_dma source(%arg6 : memref<8x4096xf32, #tpu.memory_space<vmem>>) target(%dma_start3A_130 : memref<8x4096xf32, #tpu.memory_space<hbm>>) target_semaphore(%arg8 : memref<!tpu.dma_semaphore, #tpu.memory_space<semaphore_mem>>)
    }
    %scan3A_54 = arith.constant 15 : i32
    %dma_wait3A_55 = arith.constant 240 : i32
    %dma_wait3A_56 = arith.constant 0 : i32
    %dma_wait3A_57 = tpu.memref_slice %arg3[%add3A, %dma_wait3A_55, %dma_wait3A_56] : memref<32x256x4096xf32, #tpu.memory_space<hbm>> -> memref<1x8x4096xf32, #tpu.memory_space<hbm>>
    %dma_wait3A_58 = tpu.memref_squeeze %dma_wait3A_57 : memref<1x8x4096xf32, #tpu.memory_space<hbm>> -> memref<8x4096xf32, #tpu.memory_space<hbm>>
    %dma_wait3A_59 = arith.constant 240 : i32
    %dma_wait3A_60 = arith.constant 0 : i32
    %dma_wait3A_61 = tpu.memref_slice %arg3[%add3A, %dma_wait3A_59, %dma_wait3A_60] : memref<32x256x4096xf32, #tpu.memory_space<hbm>> -> memref<1x8x4096xf32, #tpu.memory_space<hbm>>
    %dma_wait3A_62 = tpu.memref_squeeze %dma_wait3A_61 : memref<1x8x4096xf32, #tpu.memory_space<hbm>> -> memref<8x4096xf32, #tpu.memory_space<hbm>>
    tpu.wait_dma2 semaphore(%arg7 : memref<!tpu.dma_semaphore, #tpu.memory_space<semaphore_mem>>) src(%arg5 : memref<8x4096xf32, #tpu.memory_space<vmem>>) dst(%dma_wait3A_62 : memref<8x4096xf32, #tpu.memory_space<hbm>>)
    %dma_wait3A_63 = arith.constant 248 : i32
    %dma_wait3A_64 = arith.constant 0 : i32
    %dma_wait3A_65 = tpu.memref_slice %arg3[%add3A, %dma_wait3A_63, %dma_wait3A_64] : memref<32x256x4096xf32, #tpu.memory_space<hbm>> -> memref<1x8x4096xf32, #tpu.memory_space<hbm>>
    %dma_wait3A_66 = tpu.memref_squeeze %dma_wait3A_65 : memref<1x8x4096xf32, #tpu.memory_space<hbm>> -> memref<8x4096xf32, #tpu.memory_space<hbm>>
    %dma_wait3A_67 = arith.constant 248 : i32
    %dma_wait3A_68 = arith.constant 0 : i32
    %dma_wait3A_69 = tpu.memref_slice %arg3[%add3A, %dma_wait3A_67, %dma_wait3A_68] : memref<32x256x4096xf32, #tpu.memory_space<hbm>> -> memref<1x8x4096xf32, #tpu.memory_space<hbm>>
    %dma_wait3A_70 = tpu.memref_squeeze %dma_wait3A_69 : memref<1x8x4096xf32, #tpu.memory_space<hbm>> -> memref<8x4096xf32, #tpu.memory_space<hbm>>
    tpu.wait_dma2 semaphore(%arg8 : memref<!tpu.dma_semaphore, #tpu.memory_space<semaphore_mem>>) src(%arg6 : memref<8x4096xf32, #tpu.memory_space<vmem>>) dst(%dma_wait3A_70 : memref<8x4096xf32, #tpu.memory_space<hbm>>)
    return
  }
}

</mosaic_0001>

<sc_bundles>
// kernel: kernel.3.cloned.1.call-start
scs
__scs_entry_jumppad:
0x0: {  	(pc) =	sbr.rel $0x88, $3  }
0x1: {  	(tag) =	ssettag $0x0;
	lr =	simm.s32 $0x1  }
0x2: {  	[smem:$0x3FA0] =	sst lr;
	_ =	strace $0xD0000000  }
0x3: {  	_ = 	snop  }
0x4: {  	_ = 	snop  }
0x5: {  	_ = 	snop  }
0x6: {  	_ = 	snop  }
0x7: {  	_ = 	snop  }
__scs_overlays_trampoline_lowered:
0x8: {  	[smem:$0x3FAF] =	sst s0  }
0x9: {  	[smem:$0x3FB0] =	sst s1  }
0xa: {  	[smem:$0x3FB1] =	sst s2  }
0xb: {  	[smem:$0x3FB2] =	sst s3  }
0xc: {  	[smem:$0x3FB3] =	sst s4  }
0xd: {  	[smem:$0x3FB4] =	sst s5  }
0xe: {  	[smem:$0x3FB5] =	sst s6  }
0xf: {  	[smem:$0x3FB6] =	sst s7  }
0x10: {  	[smem:$0x3FB7] =	sst s8  }
0x11: {  	[smem:$0x3FB8] =	sst s9;
	s0 =	simm.s32 @!p0 $0x0  }
0x12: {  	s1 =	sld [smem:$0x3F9E];
	s0 =	simm.s32 @p0 $0x1  }
0x13: {  	[smem:$0x3FB9] =	sst s0;
	s0 =	simm.s32 @!p1 $0x0  }
0x14: {  	s2 =	sld [smem:$0x3F9D];
	s0 =	simm.s32 @p1 $0x1  }
0x15: {  	[smem:$0x3FBA] =	sst s0;
	s0 =	simm.s32 @!p2 $0x0  }
0x16: {  	s3 =	sld [smem:$0x3FDB];
	s0 =	simm.s32 @p2 $0x1  }
0x17: {  	s4 =	simm.s32 $0x1BF5;
	[smem:$0x3FBC] =	sst s0  }
0x18: {  	s0 =	sld [smem:$0x3F9F];
	_ =	swait.ge [sflag:s4], $0x0  }
0x19: {  	s7 =	sld [smem:$0x3FA0]  }
0x1a: {  	s8 =	sadd.s32 $0xFFFFE003, lr  }
0x1b: {  	s9 =	sadd.s32 $0xFFFFFEF7, lr;
	s5 =	simm.s32 $0xFFFFFFFF;
	p2 =	slt.u32 s8, $0xFFFFF086  }
0x1c: {  	p1 =	slt.u32 s9, $0xF7A;
	s5 =	simm.s32 @!p2 $0x0  }
0x1d: {  	s5 =	simm.s32 @p1 $0x1;
	p0 =	seq.s32 s7, s2  }
0x1e: {  	s7 =	smul.u32 @!p0 $0xF7A, s2;
	p2 =	seq.s32 @!p0 s5, $0x0  }
0x1f: {  	s9 =	smul.u32 $0xF7A, s1;
	s8 =	simm.s32 @!p0 $0x1BF5;
	p2 =	por !p2, p0  }
0x20: {  	[sflag:s8] =	ssyncset.s32 @!p0 $0xFFFFF086;
	s6 =	sadd.s32 @!p0 s3, s7;
	s7 =	simm.s32 @!p0 $0x108  }
0x21: {  	s3 =	sadd.s32 s3, s9;
	s6 =	sadd.s32 @!p0 $0x88, s6;
	s7 =	simm.s32 @p2 $0x1082  }
0x22: {  	[simem:s7], [sflag:s8] =	dma.local @!p0 [hbm:s6], $0xF7A  }
0x23: {  	s9 =	sor.u32 $0xD0000000, s2;
	s6 =	simm.s32 $0x108;
	_ =	swait.ge @!p0 [sflag:s8], $0x0  }
0x24: {  	s3 =	sadd.s32 $0x88, s3;
	s6 =	simm.s32 @!p1 $0x1082;
	[sflag:s4] =	ssyncset.s32 $0xFFFFF086  }
0x25: {  	[simem:s6], [sflag:s4] =	dma.local [hbm:s3], $0xF7A  }
0x26: {  	[smem:$0x3FA0] =	sst s1;
	(tag) =	ssettag s2;
	_ =	strace s9  }
0x27: {  	s1 =	sld [smem:$0x3FB0]  }
0x28: {  	s2 =	sld [smem:$0x3FB1]  }
0x29: {  	s4 =	sld [smem:$0x3FB3]  }
0x2a: {  	p0 =	seq.s32 s5, $0x0;
	s5 =	sld [smem:$0x3FB4]  }
0x2b: {  	s6 =	sld [smem:$0x3FB5]  }
0x2c: {  	s7 =	sld [smem:$0x3FB6]  }
0x2d: {  	s3 =	simm.s32 $0x108;
	s8 =	sld [smem:$0x3FB7]  }
0x2e: {  	s3 =	simm.s32 @!p0 $0x1082;
	s9 =	sld [smem:$0x3FB8]  }
0x2f: {  	lr =	sadd.s32 s0, s3;
	s0 =	sld [smem:$0x3FAF]  }
0x30: {  	s3 =	sld [smem:$0x3FB2]  }
0x31: {  	[smem:$0x3FBB] =	sst s10  }
0x32: {  	s10 =	sld [smem:$0x3FB9];
	_ =	sdelay $0x3  }
0x33: {  	p0 =	seq.s32 s10, $0x1;
	s10 =	sld [smem:$0x3FBB];
	_ =	sdelay $0x3  }
0x34: {  	[smem:$0x3FBB] =	sst s10  }
0x35: {  	s10 =	sld [smem:$0x3FBA];
	_ =	sdelay $0x3  }
0x36: {  	p1 =	seq.s32 s10, $0x1;
	s10 =	sld [smem:$0x3FBB];
	_ =	sdelay $0x3  }
0x37: {  	[smem:$0x3FBB] =	sst s10  }
0x38: {  	s10 =	sld [smem:$0x3FBC]  }
0x39: {  	_ = 	snop;
	(pc) =	sbr.ind lr, $3  }
0x3a: {  	_ = 	snop  }
0x3b: {  	_ = 	snop  }
0x3c: {  	p2 =	seq.s32 s10, $0x1;
	s10 =	sld [smem:$0x3FBB]  }
0x3d: {  	_ =	shalt  }
0x3e: {  	_ =	shalt  }
0x3f: {  	_ =	shalt  }
0x40: {  	_ =	shalt  }
0x41: {  	_ =	shalt  }
0x42: {  	_ =	shalt  }
0x43: {  	_ =	shalt  }
0x44: {  	_ =	shalt  }
0x45: {  	_ =	shalt  }
0x46: {  	_ =	shalt  }
0x47: {  	_ =	shalt  }
0x48: {  	_ =	shalt  }
0x49: {  	_ =	shalt  }
0x4a: {  	_ =	shalt  }
0x4b: {  	_ =	shalt  }
0x4c: {  	_ =	shalt  }
0x4d: {  	_ =	shalt  }
0x4e: {  	_ =	shalt  }
0x4f: {  	_ =	shalt  }
0x50: {  	_ =	shalt  }
0x51: {  	_ =	shalt  }
0x52: {  	_ =	shalt  }
0x53: {  	_ =	shalt  }
0x54: {  	_ =	shalt  }
0x55: {  	_ =	shalt  }
0x56: {  	_ =	shalt  }
0x57: {  	_ =	shalt  }
0x58: {  	_ =	shalt  }
0x59: {  	_ =	shalt  }
0x5a: {  	_ =	shalt  }
0x5b: {  	_ =	shalt  }
0x5c: {  	_ =	shalt  }
0x5d: {  	_ =	shalt  }
0x5e: {  	_ =	shalt  }
0x5f: {  	_ =	shalt  }
0x60: {  	_ =	shalt  }
0x61: {  	_ =	shalt  }
0x62: {  	_ =	shalt  }
0x63: {  	_ =	shalt  }
0x64: {  	_ =	shalt  }
0x65: {  	_ =	shalt  }
0x66: {  	_ =	shalt  }
0x67: {  	_ =	shalt  }
0x68: {  	_ =	shalt  }
0x69: {  	_ =	shalt  }
0x6a: {  	_ =	shalt  }
0x6b: {  	_ =	shalt  }
0x6c: {  	_ =	shalt  }
0x6d: {  	_ =	shalt  }
0x6e: {  	_ =	shalt  }
0x6f: {  	_ =	shalt  }
0x70: {  	_ =	shalt  }
0x71: {  	_ =	shalt  }
0x72: {  	_ =	shalt  }
0x73: {  	_ =	shalt  }
0x74: {  	_ =	shalt  }
0x75: {  	_ =	shalt  }
0x76: {  	_ =	shalt  }
0x77: {  	_ =	shalt  }
0x78: {  	_ =	shalt  }
0x79: {  	_ =	shalt  }
0x7a: {  	_ =	shalt  }
0x7b: {  	_ =	shalt  }
0x7c: {  	_ =	shalt  }
0x7d: {  	_ =	shalt  }
0x7e: {  	_ =	shalt  }
0x7f: {  	_ =	shalt  }
0x80: {  	_ =	shalt  }
0x81: {  	_ =	shalt  }
0x82: {  	_ =	shalt  }
0x83: {  	_ =	shalt  }
0x84: {  	_ =	shalt  }
0x85: {  	_ =	shalt  }
0x86: {  	_ =	shalt  }
0x87: {  	_ =	shalt  }
.Lfunc_end0:
.L_simem_size_0:
called_computation_lowered:
.L_overlay_start_0:
0x88: {  	s2 =	sld [smem:$0x3FD9]  }
0x89: {  	s3 =	sld [smem:$0x3FFE];
	_ =	sdelay $0x1  }
0x8a: {  	s1 =	srdreg.scid  }
0x8b: {  	s0 =	sand.u32 $0x1, s1  }
0x8c: {  	s18 =	sshll.u32 s0, $0xA;
	s2 =	sadd.s32 s3, s2  }
0x8d: {  	s2 =	sadd.s32 s2, s18  }
0x8e: {  	[smem:$0x3FC7] =	sst s2  }
0x8f: {  	_ = 	snop  }
0x90: {  	s2 =	sld [smem:$0x3FC9]  }
0x91: {  	s19 =	sld [smem:$0x3FD0];
	(tm) =	ssettm $0x1  }
0x92: {  	s4 =	sld [smem:$0x3FFB];
	_ =	sdelay $0x3  }
0x93: {  	_ =	strace s4  }
0x94: {  	s4 =	sld [smem:$0x3FFC];
	_ =	sdelay $0x3  }
0x95: {  	_ =	strace s4  }
0x96: {  	s4 =	sld [smem:$0x3FFD];
	_ =	sdelay $0x3  }
0x97: {  	_ =	strace s4  }
0x98: {  	_ =	strace $0x8FFFFFFF  }
0x99: {  	s20 =	sld [smem:$0x3FDB];
	_ =	sdelay $0x1  }
0x9a: {  	s5 =	simm.s32 $_scs_section_size  }
0x9b: {  	s6 =	simm.s32 $_size__tile_overlayer_lowered;
	s7 =	simm.s32 $_tile_overlayer_lowered  }
0x9c: {  	s23 =	simm.s32 $0x1BFF;
	s22 =	sshll.u32 s7, $0x1;
	s4 =	sadd.s32 s5, s20  }
0x9d: {  	s8 =	simm.s32 $0x0;
	s21 =	sshll.u32 s6, $0x1;
	s6 =	sadd.s32 s22, s4  }
0x9e: {  	[timem:s8], [sflag:s23] =	dma.local [hbm:s6], s21  }
0x9f: {  	_ =	swait.ge [sflag:s23], s21  }
0xa0: {  	s5 =	ssub.s32 $0x0, s21;
	[sflag:s23] =	ssyncset.done $0x0  }
0xa1: {  	[sflag:s23] =	ssyncadd.s32 s5;
	_ =	sdelay $0x1  }
0xa2: {  	s24 =	simm.s32 $0x1B8B  }
0xa3: {  	_ =	swait.ge [sflag:s24], $0x1  }
0xa4: {  	[sflag:s24] =	ssyncset.done $0x0  }
0xa5: {  	s25 =	simm.s32 $0x1B8E;
	[sflag:s24] =	ssyncadd.s32 $0xFFFFFFFF  }
0xa6: {  	s26 =	simm.s32 $execute0_lowered;
	[smem:$0x3FD2] =	sst s25  }
0xa7: {  	s5 =	sshll.u32 s26, $0x1;
	_ =	strace $0x80000046;
	[dreg:$0x1] =	wrdreg $0xFFFFFFFF  }
0xa8: {  	s28 =	simm.s32 $_size_execute0_lowered;
	s4 =	sadd.s32 s4, s5;
	[dreg:$0x0] =	wrdreg $0x0  }
0xa9: {  	s5 =	sshll.u32 s28, $0x1;
	[dreg:$0x2] =	wrdreg s4  }
0xaa: {  	[dreg:$0x3] =	wrdreg s5  }
0xab: {  	[dreg:$0x4] =	wrdreg $0xC0  }
0xac: {  	_ =	task [dreg:s8], $0x5FFFF  }
0xad: {  	[dreg:$0x1] =	wrdreg $0xFFFFFFFF  }
0xae: {  	[dreg:$0x0] =	wrdreg $0x60  }
0xaf: {  	[dreg:$0x2] =	wrdreg s2  }
0xb0: {  	[dreg:$0x3] =	wrdreg s19  }
0xb1: {  	[dreg:$0x4] =	wrdreg $0x9  }
0xb2: {  	_ =	task.clear_ibuf [dreg:s8], $0x5FFFF;
	_ =	strace $0x90000046  }
0xb3: {  	s29 =	simm.s32 $0x9;
	_ =	strace $0x80000048  }
0xb4: {  	_ =	swait.ge [sflag:s29], $0x1  }
0xb5: {  	[sflag:s29] =	ssyncadd.s32 $0xFFFFFFFF  }
0xb6: {  	_ =	strace $0x90000048  }
0xb7: {  	_ =	sfence  }
0xb8: {  	s30 =	sld [smem:$0x0];
	_ =	sdelay $0x2  }
0xb9: {  	s31 =	sshll.u32 s1, $0xD;
	s1 =	sshrl.u32 s1, $0x2  }
0xba: {  	s3 =	sand.u32 $0x4000, s31;
	s1 =	sadd.s32 s1, s30  }
0xbb: {  	s0 =	sor.u32 s3, s0;
	s1 =	sshll.u32 s1, $0x11  }
0xbc: {  	s0 =	sor.u32 s1, s0  }
0xbd: {  	s0 =	sadd.s32 $0x8F2B, s0  }
0xbe: {  	[sflag:s0] =	ssyncadd.remote.s32 $0x1  }
0xbf: {  	_ =	sfence.sel $0xFFFF  }
0xc0: {  	[dreg:$0x0] =	wrdreg $0xFFFFFFFF;
	(pc) =	sbr.abs _section_cstart, $3  }
0xc1: {  	[dreg:$0x1] =	wrdreg $0xFFFFFFFF  }
0xc2: {  	_ =	task.clear_ibuf [dreg:s8], $0x2FFFF;
	_ =	strace $0x9FFFFFFF  }
0xc3: {  	(tm) =	ssettm $0x7FFFFFFF  }
tec
execute0_lowered:
.L_overlay_start_1:
0x0: {  	(tag) =	ssettag $0x1  }
0x1: {  	s4 =	rddreg [dreg:$0x0]  }
0x2: {  	s2 =	rddreg [dreg:$0x1]  }
0x3: {  	s0 =	rddreg [dreg:$0x2]  }
0x4: {  	s3 =	simm.s32 $0x0;
	s5 =	srdreg.scid;
	s1 =	stileid.u32  }
0x5: {  	s11 =	simm.s32 $0x9000;
	s12 =	simm.s32 $0x1;
	s13 =	simm.s32 $0x2  }
0x6: {  	s14 =	simm.s32 $0x0;
	s5 =	sand.u32 $0x1, s5;
	s6 =	sshll.u32 s1, $0x1  }
0x7: {  	[smem:$0x7FF] =	sst s3;
	s7 =	ssub.s32 $0x2, s5;
	s6 =	sor.u32 s5, s6  }
0x8: {  	_ =	strace $0x80000047;
	s31 =	sshrl.u32 s7, $0x1;
	s8 =	sshll.u32 s6, $0x9  }
0x9: {  	s9 =	sshll.u32 s6, $0x11;
	s6 =	sshll.u32 s6, $0x14;
	s10 =	ssub.s32 s7, s31  }
0xa: {  	s4 =	sadd.s32 s4, s8;
	s5 =	sadd.s32 s2, s9;
	s9 =	simm.s32 $0x3  }
0xb: {  	v0 =	vimm.f32 $0.0e+00;
	v1 =	vlaneseq.u32;
	v2 =	vimm.f32 $1.000000000e+00;
	s7 =	sadd.s32 $0x1000, s5;
	s8 =	smax.u32 s10, $0x1;
	s10 =	simm.s32 $0x1000  }
.LBB2_1:
0xc: {  	[tilespmem:s3], [sflag:$0x3] =	stream.linear.gather [hbm4b:s4+s3], $0x1000, $0x38;
	[tilespmem:$0x11000] =	vst v63  }
0xd: {  	s15 =	sand.u32 $0x70, s3;
	s16 =	sand.u32 $0x7C00, s3  }
0xe: {  	s15 =	sor.u32 s15, s16  }
0xf: {  	[tilespmem:s15+$0x1300] =	vst v0  }
0x10: {  	[tilespmem:s15+$0x9280] =	vst v0  }
0x11: {  	[tilespmem:s15+$0x1280] =	vst v0  }
0x12: {  	[tilespmem:s15+$0x9200] =	vst v0  }
0x13: {  	[tilespmem:s15+$0x1200] =	vst v0  }
0x14: {  	[tilespmem:s15+$0x9180] =	vst v0  }
0x15: {  	[tilespmem:s15+$0x1180] =	vst v0  }
0x16: {  	[tilespmem:s15+$0x9100] =	vst v0  }
0x17: {  	[tilespmem:s15+$0x1100] =	vst v0  }
0x18: {  	s19 =	sand.u32 $0x7, s3;
	[tilespmem:s15+$0x9080] =	vst v0  }
0x19: {  	s17 =	simm.s32 $0x10;
	s18 =	simm.s32 $0x0;
	s16 =	simm.s32 $0x0;
	[tilespmem:s15+$0x1080] =	vst v0  }
.LBB2_2:
0x1a: {  	p0 =	sne.s32 s17, $0xFF0;
	s19 =	sshll.u32 s19, $0x4;
	[tilespmem:s15+$0x9000] =	vst v0  }
0x1b: {  	s19 =	sadd.s32 s19, s16;
	[tilespmem:s15+$0x1000] =	vst v0  }
0x1c: {  	s16 =	sadd.s32 $0x80, s16;
	[tilespmem:s15+$0x9300] =	vst v0;
	s19 =	sor.u32 $0x380, s19  }
0x1d: {  	s15 =	sand.u32 $0x70, s17;
	s20 =	sand.u32 $0x7C00, s16;
	[tilespmem:s19+$0x9000] =	vst v0  }
0x1e: {  	s15 =	sor.u32 s15, s20;
	[tilespmem:s19+$0x1000] =	vst v0  }
0x1f: {  	[tilespmem:s15+$0x1300] =	vst v0  }
0x20: {  	[tilespmem:s15+$0x9280] =	vst v0  }
0x21: {  	[tilespmem:s15+$0x1280] =	vst v0  }
0x22: {  	[tilespmem:s15+$0x9200] =	vst v0  }
0x23: {  	[tilespmem:s15+$0x1200] =	vst v0  }
0x24: {  	[tilespmem:s15+$0x9180] =	vst v0  }
.Ltmp0:
0x25: {  	[tilespmem:s15+$0x1180] =	vst v0;
	(pc) =	sbr.rel @p0 .LBB2_2-.Ltmp0, $4  }
0x26: {  	[tilespmem:s15+$0x9100] =	vst v0  }
0x27: {  	[tilespmem:s15+$0x1100] =	vst v0  }
0x28: {  	s18 =	sadd.s32 $0x1, s18;
	[tilespmem:s15+$0x9080] =	vst v0  }
0x29: {  	s17 =	sadd.s32 $0x10, s17;
	s19 =	sand.u32 $0x7, s18;
	[tilespmem:s15+$0x1080] =	vst v0  }
0x2a: {  	s17 =	sshll.u32 s19, $0x4;
	[tilespmem:s15+$0x9000] =	vst v0  }
0x2b: {  	[tilespmem:s15+$0x1000] =	vst v0;
	s16 =	sadd.s32 s17, s16  }
0x2c: {  	[tilespmem:s15+$0x9300] =	vst v0;
	s31 =	sor.u32 $0x380, s16  }
0x2d: {  	[tilespmem:s31+$0x9000] =	vst v0  }
0x2e: {  	[tilespmem:s31+$0x1000] =	vst v0  }
0x2f: {  	_ =	swait.ge [sflag:s9], $0x1000  }
0x30: {  	[sflag:s9] =	ssyncset.done $0x0  }
0x31: {  	s15 =	simm.s32 $0x0;
	[sflag:s9] =	ssyncadd.s32 $0xFFFFF000  }
0x32: {  	s17 =	simm.s32 $0x0;
	s16 =	simm.s32 $0x10;
	v3 =	vld [tilespmem:s15+$0x0]  }
.LBB2_4:
0x33: {  	p0 =	sne.s32 s16, $0xFF0;
	_ =	sdelay $0x1  }
0x34: {  	v4 =	vmov s15  }
0x35: {  	v5 =	vor.u32 s15, v1;
	s15 =	smov.u32 s16;
	v4 =	vshll.u32 v4, $0x3  }
0x36: {  	v5 =	vand.u32 $0x7F, v5;
	v4 =	vand.u32 $0x7C00, v4;
	v6 =	vshll.u32 v3, $0x7  }
0x37: {  	v4 =	vor.u32 v4, v5;
	vm0 =	vlt.u32 v3, $0x8;
	v3 =	vand.u32 $0x380, v6  }
0x38: {  	v3 =	vor.u32 v3, v4;
	_ =	sdelay $0x1  }
.Ltmp1:
0x39: {  	(pc) =	sbr.rel @p0 .LBB2_4-.Ltmp1, $3  }
0x3a: {  	_ =	sdelay $0x1  }
0x3b: {  	s17 =	sadd.s32 $0x10, s17;
	[tilespmem:v3+s10+$0x0] =	vst.idx.msk vm0, v2  }
0x3c: {  	s16 =	sadd.s32 $0x10, s16;
	v3 =	vld [tilespmem:s17+$0x0]  }
0x3d: {  	_ =	sdelay $0x1  }
0x3e: {  	v4 =	vmov s15  }
0x3f: {  	v5 =	vor.u32 s15, v1;
	v4 =	vshll.u32 v4, $0x3  }
0x40: {  	v5 =	vand.u32 $0x7F, v5;
	v4 =	vand.u32 $0x7C00, v4;
	v6 =	vshll.u32 v3, $0x7  }
0x41: {  	v4 =	vor.u32 v4, v5;
	vm0 =	vlt.u32 v3, $0x8;
	v3 =	vand.u32 $0x380, v6  }
0x42: {  	v3 =	vor.u32 v3, v4;
	_ =	sdelay $0x4  }
0x43: {  	s15 =	simm.s32 $0x0;
	[tilespmem:v3+s10+$0x0] =	vst.idx.msk vm0, v2  }
0x44: {  	[hbm4b:s5+s15] =	stream.linear.scatter [tilespmem:s10], [sflag:$0x1], $0x8000, $0x38;
	[tilespmem:$0x11000] =	vst v63  }
0x45: {  	s16 =	simm.s32 $0x10;
	s17 =	simm.s32 $0x0;
	v3 =	vld [tilespmem:s15+$0x0]  }
.LBB2_6:
0x46: {  	p0 =	sne.s32 s16, $0xFF0;
	_ =	sdelay $0x1  }
0x47: {  	v4 =	vmov s15;
	v5 =	vor.u32 s15, v1;
	s15 =	smov.u32 s16  }
0x48: {  	v5 =	vand.u32 $0x7F, v5;
	v4 =	vshll.u32 v4, $0x3  }
0x49: {  	v4 =	vand.u32 $0x7C00, v4;
	v6 =	vand.u32 $0xFFFFFFF8, v3;
	v3 =	vshll.u32 v3, $0x7  }
0x4a: {  	v4 =	vor.u32 v4, v5;
	vm0 =	veq.s32 v6, $0x8;
	v3 =	vand.u32 $0x380, v3  }
0x4b: {  	v3 =	vor.u32 v3, v4;
	_ =	sdelay $0x1  }
.Ltmp2:
0x4c: {  	(pc) =	sbr.rel @p0 .LBB2_6-.Ltmp2, $3  }
0x4d: {  	_ =	sdelay $0x1  }
0x4e: {  	s17 =	sadd.s32 $0x10, s17;
	[tilespmem:v3+s11+$0x0] =	vst.idx.msk vm0, v2  }
0x4f: {  	s16 =	sadd.s32 $0x10, s16;
	v3 =	vld [tilespmem:s17+$0x0]  }
0x50: {  	_ =	sdelay $0x1  }
0x51: {  	v4 =	vmov s15;
	v5 =	vor.u32 s15, v1  }
0x52: {  	v5 =	vand.u32 $0x7F, v5;
	v4 =	vshll.u32 v4, $0x3  }
0x53: {  	v4 =	vand.u32 $0x7C00, v4;
	v6 =	vand.u32 $0xFFFFFFF8, v3;
	v3 =	vshll.u32 v3, $0x7  }
0x54: {  	v4 =	vor.u32 v4, v5;
	vm0 =	veq.s32 v6, $0x8;
	v3 =	vand.u32 $0x380, v3  }
0x55: {  	v3 =	vor.u32 v3, v4;
	_ =	sdelay $0x4  }
0x56: {  	s15 =	simm.s32 $0x1;
	[tilespmem:v3+s11+$0x0] =	vst.idx.msk vm0, v2  }
0x57: {  	[hbm4b:s7+s3] =	stream.linear.scatter [tilespmem:s11], [sflag:$0x2], $0x8000, $0x38;
	[tilespmem:$0x11000] =	vst v63  }
.LBB2_8:
0x58: {  	_ =	swait.ge [sflag:s12], $0x8000  }
0x59: {  	[sflag:s12] =	ssyncset.done $0x0  }
0x5a: {  	s16 =	sshll.u32 s15, $0x1;
	s17 =	simm.s32 $0x0;
	[sflag:s12] =	ssyncadd.s32 $0xFFFF8000  }
0x5b: {  	s18 =	sadd.s32 $0xFFFFFFFE, s16;
	v5 =	vld [tilespmem:s17+$0x0]  }
0x5c: {  	s19 =	simm.s32 $0x0;
	v3 =	vmov s16;
	v4 =	vmov s18;
	s18 =	simm.s32 $0x10  }
.LBB2_9:
0x5d: {  	p0 =	sne.s32 s18, $0xFF0;
	v6 =	vmov s17  }
0x5e: {  	v7 =	vor.u32 s17, v1;
	s17 =	smov.u32 s18;
	v6 =	vshll.u32 v6, $0x3  }
0x5f: {  	v7 =	vand.u32 $0x7F, v7;
	v6 =	vand.u32 $0x7C00, v6  }
0x60: {  	v8 =	vshrl.u32 v5, $0x3;
	v5 =	vshll.u32 v5, $0x7;
	v6 =	vor.u32 v6, v7  }
0x61: {  	vm0 =	veq.s32 v8, v4;
	v5 =	vand.u32 $0x380, v5;
	vm1 =	veq.s32 v8, v3  }
0x62: {  	v5 =	vor.u32 v5, v6;
	_ =	sdelay $0x3  }
.Ltmp3:
0x63: {  	(pc) =	sbr.rel @p0 .LBB2_9-.Ltmp3, $4  }
0x64: {  	[tilespmem:v5+s10+$0x0] =	vst.idx.msk vm0, v0  }
0x65: {  	s19 =	sadd.s32 $0x10, s19;
	[tilespmem:v5+s10+$0x0] =	vst.idx.msk vm1, v2  }
0x66: {  	v5 =	vld [tilespmem:s19+$0x0]  }
0x67: {  	s18 =	sadd.s32 $0x10, s18  }
0x68: {  	_ = 	snop  }
0x69: {  	v6 =	vmov s17;
	v7 =	vor.u32 s17, v1  }
0x6a: {  	v6 =	vshll.u32 v6, $0x3;
	v7 =	vand.u32 $0x7F, v7  }
0x6b: {  	v6 =	vand.u32 $0x7C00, v6;
	v8 =	vshrl.u32 v5, $0x3;
	v5 =	vshll.u32 v5, $0x7  }
0x6c: {  	v6 =	vor.u32 v6, v7;
	vm0 =	veq.s32 v8, v4;
	v4 =	vand.u32 $0x380, v5  }
0x6d: {  	vm1 =	veq.s32 v8, v3;
	v3 =	vor.u32 v4, v6;
	_ =	sdelay $0x2  }
0x6e: {  	s30 =	sshll.u32 s15, $0x10  }
0x6f: {  	s17 =	sadd.s32 s6, s30  }
0x70: {  	s17 =	sshrl.u32 s17, $0x3;
	[tilespmem:v3+s10+$0x0] =	vst.idx.msk vm0, v0  }
0x71: {  	s18 =	simm.s32 $0x0;
	s17 =	sadd.s32 s2, s17;
	[tilespmem:v3+s10+$0x0] =	vst.idx.msk vm1, v2  }
0x72: {  	[hbm4b:s17+s18] =	stream.linear.scatter [tilespmem:s10], [sflag:$0x1], $0x8000, $0x38;
	[tilespmem:$0x11000] =	vst v63  }
0x73: {  	_ =	swait.ge [sflag:s13], $0x8000  }
0x74: {  	[sflag:s13] =	ssyncset.done $0x0  }
0x75: {  	[sflag:s13] =	ssyncadd.s32 $0xFFFF8000  }
0x76: {  	s31 =	sadd.s32 $0xFFFFFFFF, s16;
	s17 =	sor.u32 $0x1, s16;
	v5 =	vld [tilespmem:s18+$0x0]  }
0x77: {  	s19 =	simm.s32 $0x0;
	v4 =	vmov s31;
	s16 =	simm.s32 $0x10;
	v3 =	vmov s17  }
.LBB2_11:
0x78: {  	p0 =	sne.s32 s16, $0xFF0;
	v6 =	vmov s18  }
0x79: {  	v7 =	vor.u32 s18, v1;
	s18 =	smov.u32 s16;
	v6 =	vshll.u32 v6, $0x3  }
0x7a: {  	v7 =	vand.u32 $0x7F, v7;
	v6 =	vand.u32 $0x7C00, v6  }
0x7b: {  	v8 =	vshrl.u32 v5, $0x3;
	v5 =	vshll.u32 v5, $0x7;
	v6 =	vor.u32 v6, v7  }
0x7c: {  	vm0 =	veq.s32 v8, v4;
	v5 =	vand.u32 $0x380, v5;
	vm1 =	veq.s32 v8, v3  }
0x7d: {  	v5 =	vor.u32 v5, v6;
	_ =	sdelay $0x3  }
.Ltmp4:
0x7e: {  	(pc) =	sbr.rel @p0 .LBB2_11-.Ltmp4, $4  }
0x7f: {  	[tilespmem:v5+s11+$0x0] =	vst.idx.msk vm0, v0  }
0x80: {  	s19 =	sadd.s32 $0x10, s19;
	[tilespmem:v5+s11+$0x0] =	vst.idx.msk vm1, v2  }
0x81: {  	v5 =	vld [tilespmem:s19+$0x0]  }
0x82: {  	s16 =	sadd.s32 $0x10, s16  }
0x83: {  	_ = 	snop  }
0x84: {  	v6 =	vmov s18;
	v7 =	vor.u32 s18, v1  }
0x85: {  	v6 =	vshll.u32 v6, $0x3;
	v7 =	vand.u32 $0x7F, v7  }
0x86: {  	v6 =	vand.u32 $0x7C00, v6;
	v8 =	vshrl.u32 v5, $0x3;
	v62 =	vshll.u32 v5, $0x7  }
0x87: {  	v6 =	vor.u32 v6, v7;
	vm0 =	veq.s32 v8, v4;
	v63 =	vand.u32 $0x380, v62  }
0x88: {  	vm1 =	veq.s32 v8, v3;
	v3 =	vor.u32 v63, v6  }
0x89: {  	s15 =	sadd.s32 $0x1, s15  }
0x8a: {  	p0 =	sne.s32 s15, $0x10  }
.Ltmp5:
0x8b: {  	s16 =	sshll.u32 s17, $0xF;
	(pc) =	sbr.rel @p0 .LBB2_8-.Ltmp5, $4  }
0x8c: {  	s16 =	sadd.s32 s6, s16  }
0x8d: {  	s16 =	sshrl.u32 s16, $0x3;
	[tilespmem:v3+s11+$0x0] =	vst.idx.msk vm0, v0  }
0x8e: {  	s16 =	sadd.s32 s2, s16;
	[tilespmem:v3+s11+$0x0] =	vst.idx.msk vm1, v2  }
0x8f: {  	[hbm4b:s16+s3] =	stream.linear.scatter [tilespmem:s11], [sflag:$0x2], $0x8000, $0x38;
	[tilespmem:$0x11000] =	vst v63  }
0x90: {  	s14 =	sadd.s32 $0x1, s14  }
0x91: {  	_ =	swait.ge [sflag:s12], $0x8000;
	p0 =	sne.s32 s14, s8  }
.Ltmp6:
0x92: {  	[sflag:s12] =	ssyncset.done $0x0;
	(pc) =	sbr.rel @p0 .LBB2_1-.Ltmp6, $4  }
0x93: {  	[sflag:s12] =	ssyncadd.s32 $0xFFFF8000  }
0x94: {  	_ =	swait.ge [sflag:s13], $0x8000  }
0x95: {  	[sflag:s13] =	ssyncset.done $0x0  }
0x96: {  	[sflag:s13] =	ssyncadd.s32 $0xFFFF8000  }
0x97: {  	_ =	sfence.sel $0x180000  }
0x98: {  	[bflag:$0x0] =	sbarrier.arrive $0xFFFF  }
0x99: {  	p0 =	sne.s32 s1, $0x0;
	_ =	strace $0x90000047  }
0x9a: {  	s0 =	sadd.s32 @!p0 $0x100000, s0;
	[bflag:$0x2] =	sbarrier.arrive $0xFFFF  }
0x9b: {  	[sflag:s0] =	ssyncadd.tile.s32 @!p0 $0x1;
	_ =	shalt  }
.Lfunc_end2:
_tile_overlayer_lowered:
.L_overlay_start_2:
0x9c: {  	(tag) =	ssettag $0x2  }
0x9d: {  	s0 =	rddreg [dreg:$0x0];
	s2 =	stileid.u32  }
0x9e: {  	s1 =	rddreg [dreg:$0x1];
	p0 =	sne.s32 s2, $0x0  }
0x9f: {  	s3 =	rddreg [dreg:$0x2];
	[bflag:$0x3] =	sbarrier.arrive $0xFFFF;
	s2 =	simm.s32 @!p0 $0x1C04  }
0xa0: {  	[timem:s3], [sflag:s2] =	dma.local @!p0 [hbm:s0], s1  }
0xa1: {  	s0 =	simm.s32 @!p0 $0x4  }
0xa2: {  	_ =	swait.ge @!p0 [sflag:s0], s1  }
0xa3: {  	s1 =	ssub.s32 @!p0 $0x0, s1;
	[sflag:s0] =	ssyncset.done @!p0 $0x0  }
0xa4: {  	[sflag:s0] =	ssyncadd.s32 @!p0 s1  }
0xa5: {  	[bflag:$0x3] =	sbarrier.arrive $0xFFFF  }
0xa6: {  	_ =	shalt  }

</sc_bundles>
